<compile_context>
chip_gen: v7x
topology: tpu7x:2x2x1
jax: 0.10.2.dev20260603
libtpu: 0.0.44.dev20260713+nightly
codegen_flags: <defaults>
</compile_context>

<pallas_src>
import functools

import jax
import jax.numpy as jnp
from jax import lax
from jax.experimental import pallas as pl
from jax.experimental.pallas import tpu as pltpu
from jax.experimental.pallas import tpu_sc as plsc

_LANES = 16
_NC = 2
_NS = 16
_NW = _NC * _NS


def _bag_sums_sc(flat_idx, emb_weight, batch, sl):
    emb = emb_weight.shape[1]
    assert emb == 2 * _LANES
    assert sl % 2 == 0
    half = sl // 2
    rows_per_w = batch // _NW
    n_chunks = rows_per_w

    mesh = plsc.VectorSubcoreMesh(
        core_axis_name="c", subcore_axis_name="s",
        num_cores=_NC, num_subcores=_NS)

    @functools.partial(
        pl.kernel,
        mesh=mesh,
        compiler_params=pltpu.CompilerParams(use_tc_tiling_on_sc=False),
        out_type=jax.ShapeDtypeStruct((batch, emb), jnp.float32),
        scratch_types=[
            pltpu.VMEM((rows_per_w * sl,), jnp.int32),
            pltpu.VMEM((sl, emb), jnp.float32),
            pltpu.VMEM((sl, emb), jnp.float32),
            pltpu.VMEM((rows_per_w, emb), jnp.float32),
            pltpu.SemaphoreType.DMA,
            pltpu.SemaphoreType.DMA,
        ],
    )
    def bag_sum_kernel(idx_hbm, table_hbm, out_hbm,
                       idx_all, buf0, buf1, acc, gsem0, gsem1):
        cid = lax.axis_index("c")
        sid = lax.axis_index("s")
        wid = sid * _NC + cid
        base = wid * rows_per_w * sl

        bufs = (buf0, buf1)
        sems = (gsem0, gsem1)

        pltpu.sync_copy(idx_hbm.at[pl.ds(base, rows_per_w * sl)], idx_all)

        def fill(c, b):
            pltpu.make_async_copy(
                table_hbm.at[idx_all.at[pl.ds(c * sl, sl)]], bufs[b],
                sems[b]).start()

        fill(0, 0)
        fill(1, 1)

        def chunk_body(cc, _):
            b = lax.rem(cc, 2)

            def reduce_from(_b):
                buf = bufs[_b]
                pltpu.make_async_copy(
                    table_hbm.at[idx_all.at[pl.ds(cc * sl, sl)]], buf,
                    sems[_b]).wait()

                def tok_body(j, carry):
                    a0, a1, b0, b1 = carry
                    a0 = a0 + buf[j, pl.ds(0, _LANES)]
                    a1 = a1 + buf[j, pl.ds(_LANES, _LANES)]
                    b0 = b0 + buf[half + j, pl.ds(0, _LANES)]
                    b1 = b1 + buf[half + j, pl.ds(_LANES, _LANES)]
                    return a0, a1, b0, b1

                z = jnp.zeros((_LANES,), jnp.float32)
                a0, a1, b0, b1 = lax.fori_loop(
                    0, half, tok_body, (z, z, z, z), unroll=4)
                acc[cc, pl.ds(0, _LANES)] = a0 + b0
                acc[cc, pl.ds(_LANES, _LANES)] = a1 + b1

                nxt = cc + 2

                @pl.when(nxt < n_chunks)
                def _():
                    fill(nxt, _b)

            @pl.when(b == 0)
            def _():
                reduce_from(0)

            @pl.when(b == 1)
            def _():
                reduce_from(1)

            return 0

        lax.fori_loop(0, n_chunks, chunk_body, 0)
        pltpu.sync_copy(acc, out_hbm.at[pl.ds(wid * rows_per_w, rows_per_w)])

    return bag_sum_kernel(flat_idx, emb_weight)


_RC = 16384


def _relayout_tc(emb_t):
    emb, vocab = emb_t.shape
    rows = vocab * emb // 128
    grid = pl.cdiv(vocab, _RC)

    def body(x_ref, o_ref):
        z = x_ref[...].T.reshape(_RC // 4, 4, emb)
        for a in range(4):
            o_ref[:, emb * a:emb * (a + 1)] = z[:, a, :]

    return pl.pallas_call(
        body,
        grid=(grid,),
        in_specs=[pl.BlockSpec((emb, _RC), lambda i: (0, i))],
        out_specs=pl.BlockSpec((_RC * emb // 128, 128), lambda i: (i, 0)),
        out_shape=jax.ShapeDtypeStruct((rows, 128), jnp.float32),
    )(emb_t)


def _linear_tc(bag_sums, wt_pad, bias_pad, scale):
    batch = bag_sums.shape[0]
    npad = wt_pad.shape[1]

    def mm(x_ref, w_ref, b_ref, o_ref):
        x = x_ref[...] * scale
        o_ref[...] = (
            jnp.dot(x, w_ref[...], preferred_element_type=jnp.float32)
            + b_ref[...])

    return pl.pallas_call(
        mm,
        out_shape=jax.ShapeDtypeStruct((batch, npad), jnp.float32),
    )(bag_sums, wt_pad, bias_pad)


def kernel(sents_batch, emb_weight, lin_weight, lin_bias):
    batch, s, l = sents_batch.shape
    sl = s * l
    flat_idx = sents_batch.reshape(batch * sl)
    vocab, emb = emb_weight.shape
    emb_lin = _relayout_tc(emb_weight.T).reshape(vocab, emb)
    sums = _bag_sums_sc(flat_idx, emb_lin, batch, sl)

    classes = lin_weight.shape[0]
    npad = 128
    wt = lin_weight.T
    wt_pad = jnp.zeros((wt.shape[0], npad), wt.dtype).at[:, :classes].set(wt)
    bias_pad = (jnp.zeros((1, npad), lin_bias.dtype)
                .at[0, :classes].set(lin_bias))
    out = _linear_tc(sums, wt_pad, bias_pad, 1.0 / sl)
    return out[:, :classes]

# --- scband reference (transcript-rebuilt; emitter-appended) ---
"""Pipeline reference for scband-classifier-90512140796496 (READ-ONLY COPY).

The authoritative reference and input builder live on the scoring server;
editing this copy changes nothing except your own understanding.
"""

import jax, jax.numpy as jnp
import numpy as np

VOCAB = 1000000
EMB = 32
CLASSES = 100
B, S, L = 4096, 26, 20


def setup_inputs(seed: int = 0) -> dict:
    key = jax.random.key(seed)
    k1, k2, k3, k4 = jax.random.split(key, 4)
    sents_batch = jax.random.randint(k1, (B, S, L), 0, VOCAB, dtype=jnp.int32)
    initrange = 0.5
    emb_weight = jax.random.uniform(k2, (VOCAB, EMB), dtype=jnp.float32, minval=-initrange, maxval=initrange)
    lin_weight = jax.random.uniform(k3, (CLASSES, EMB), dtype=jnp.float32, minval=-initrange, maxval=initrange)
    lin_bias = jax.random.uniform(k4, (CLASSES,), dtype=jnp.float32, minval=-initrange, maxval=initrange)
    return {"sents_batch": sents_batch, "emb_weight": emb_weight, "lin_weight": lin_weight, "lin_bias": lin_bias}


def reference(sents_batch, emb_weight, lin_weight, lin_bias):
    batch_size, sent_count, sent_len = sents_batch.shape
    flat_sents = sents_batch.reshape(batch_size * sent_count, sent_len)
    # EmbeddingBag with default mode='mean': gather then mean over bag (sent_len)
    gathered = jnp.take(emb_weight, flat_sents, axis=0)  # (B*S, L, EMB)
    flat_sent_embs = gathered.mean(axis=1)  # (B*S, EMB)
    sent_embs_batch = flat_sent_embs.reshape(batch_size, sent_count, -1)
    avg_sent_emb_batch = sent_embs_batch.mean(axis=1)  # (B, EMB)
    logits_batch = avg_sent_emb_batch @ lin_weight.T + lin_bias
    return logits_batch

if __name__ == "__main__":
    import jax
    _d = setup_inputs()
    print(jax.jit(kernel)(*tuple(_d.values())))

</pallas_src>

<mosaic_0001>
#map = affine_map<(d0, d1) -> (0)>
#map1 = affine_map<(d0, d1) -> (0, 0)>
module attributes {stable_mosaic.version = 14 : i64} {
  func.func @bag_sum_kernel(%arg0: i32, %arg1: i32, %arg2: memref<2129920xi32, #tpu.memory_space<hbm>>, %arg3: memref<1000000x32xf32, #tpu.memory_space<hbm>>, %arg4: memref<4096x32xf32, #tpu.memory_space<hbm>>, %arg5: memref<66560xi32, #tpu.memory_space<vmem>>, %arg6: memref<520x32xf32, #tpu.memory_space<vmem>>, %arg7: memref<520x32xf32, #tpu.memory_space<vmem>>, %arg8: memref<128x32xf32, #tpu.memory_space<vmem>>, %arg9: memref<!tpu.dma_semaphore, #tpu.memory_space<semaphore_mem>>, %arg10: memref<!tpu.dma_semaphore, #tpu.memory_space<semaphore_mem>>) attributes {dimension_semantics = [#tpu.dimension_semantics<core_parallel>, #tpu.dimension_semantics<subcore_parallel>], iteration_bounds = array<i64: 2, 16>, scalar_prefetch = 0 : i64, scratch_operands = 6 : i64, tpu.core_type = #tpu.core_type<sc_vector_subcore>, window_params = [{transform_indices = #map}, {transform_indices = #map1}, {transform_indices = #map1}]} {
    %mul3A = arith.constant 2 : i32
    %mul3A_0 = arith.muli %arg1, %mul3A : i32
    %add3A = arith.addi %mul3A_0, %arg0 : i32
    %mul3A_1 = arith.constant 128 : i32
    %mul3A_2 = arith.muli %add3A, %mul3A_1 : i32
    %mul3A_3 = arith.constant 520 : i32
    %mul3A_4 = arith.muli %mul3A_2, %mul3A_3 : i32
    "tpu.region"() ({
      %run_scoped3A = tpu.sem_alloc : memref<!tpu.dma_semaphore, #tpu.memory_space<semaphore_mem>>
      %dma_start3A_22 = tpu.memref_slice %arg2[%mul3A_4] : memref<2129920xi32, #tpu.memory_space<hbm>> -> memref<66560xi32, #tpu.memory_space<hbm>>
      %dma_start3A_23 = tpu.memref_slice %arg2[%mul3A_4] : memref<2129920xi32, #tpu.memory_space<hbm>> -> memref<66560xi32, #tpu.memory_space<hbm>>
      tpu.enqueue_dma source(%dma_start3A_23 : memref<66560xi32, #tpu.memory_space<hbm>>) target(%arg5 : memref<66560xi32, #tpu.memory_space<vmem>>) target_semaphore(%run_scoped3A : memref<!tpu.dma_semaphore, #tpu.memory_space<semaphore_mem>>)
      %dma_wait3A = tpu.memref_slice %arg2[%mul3A_4] : memref<2129920xi32, #tpu.memory_space<hbm>> -> memref<66560xi32, #tpu.memory_space<hbm>>
      %dma_wait3A_24 = tpu.memref_slice %arg2[%mul3A_4] : memref<2129920xi32, #tpu.memory_space<hbm>> -> memref<66560xi32, #tpu.memory_space<hbm>>
      tpu.wait_dma2 semaphore(%run_scoped3A : memref<!tpu.dma_semaphore, #tpu.memory_space<semaphore_mem>>) src(%dma_wait3A_24 : memref<66560xi32, #tpu.memory_space<hbm>>) dst(%arg5 : memref<66560xi32, #tpu.memory_space<vmem>>)
      tpu.yield
    }) : () -> ()
    %dma_start3A = arith.constant 0 : i32
    %dma_start3A_5 = tpu.memref_slice %arg5[%dma_start3A] : memref<66560xi32, #tpu.memory_space<vmem>> -> memref<520xi32, #tpu.memory_space<vmem>>
    %dma_start3A_6 = arith.constant 0 : i32
    %dma_start3A_7 = arith.constant 0 : i32
    %dma_start3A_8 = tpu.memref_slice %arg3[%dma_start3A_6, %dma_start3A_7] : memref<1000000x32xf32, #tpu.memory_space<hbm>> -> memref<1000000x32xf32, #tpu.memory_space<hbm>>
    tpu.enqueue_indirect_dma source(%dma_start3A_8 : memref<1000000x32xf32, #tpu.memory_space<hbm>>) target(%arg6 : memref<520x32xf32, #tpu.memory_space<vmem>>) offsets(%dma_start3A_5 : memref<520xi32, #tpu.memory_space<vmem>>) semaphore(%arg9 : memref<!tpu.dma_semaphore, #tpu.memory_space<semaphore_mem>>)
    %dma_start3A_9 = arith.constant 520 : i32
    %dma_start3A_10 = tpu.memref_slice %arg5[%dma_start3A_9] : memref<66560xi32, #tpu.memory_space<vmem>> -> memref<520xi32, #tpu.memory_space<vmem>>
    %dma_start3A_11 = arith.constant 0 : i32
    %dma_start3A_12 = arith.constant 0 : i32
    %dma_start3A_13 = tpu.memref_slice %arg3[%dma_start3A_11, %dma_start3A_12] : memref<1000000x32xf32, #tpu.memory_space<hbm>> -> memref<1000000x32xf32, #tpu.memory_space<hbm>>
    tpu.enqueue_indirect_dma source(%dma_start3A_13 : memref<1000000x32xf32, #tpu.memory_space<hbm>>) target(%arg7 : memref<520x32xf32, #tpu.memory_space<vmem>>) offsets(%dma_start3A_10 : memref<520xi32, #tpu.memory_space<vmem>>) semaphore(%arg10 : memref<!tpu.dma_semaphore, #tpu.memory_space<semaphore_mem>>)
    %scan3A = arith.constant 0 : i32
    %scan3A_14 = arith.constant 0 : i32
    %scan3A_15 = arith.constant 128 : i32
    %scan3A_16 = arith.addi %scan3A_14, %scan3A_15 : i32
    %scan3A_17 = arith.constant 1 : i32
    %scan3A_18 = scf.for %scan3A_22 = %scan3A_14 to %scan3A_16 step %scan3A_17 iter_args(%scan3A_23 = %scan3A) -> (i32)  : i32 {
      %rem3A = arith.constant 2 : i32
      %rem3A_24 = arith.remsi %scan3A_22, %rem3A : i32
      %eq3A = arith.constant 0 : i32
      %eq3A_25 = arith.cmpi eq, %rem3A_24, %eq3A : i32
      %convert_element_type3A = arith.extui %eq3A_25 : i1 to i32
      %cond3A = arith.constant 0 : i32
      %cond3A_26 = arith.cmpi ne, %convert_element_type3A, %cond3A : i32
      scf.if %cond3A_26 {
        %mul3A_33 = arith.constant 520 : i32
        %mul3A_34 = arith.muli %scan3A_22, %mul3A_33 : i32
        %dma_wait3A = tpu.memref_slice %arg5[%mul3A_34] : memref<66560xi32, #tpu.memory_space<vmem>> -> memref<520xi32, #tpu.memory_space<vmem>>
        %dma_wait3A_35 = arith.constant 0 : i32
        %dma_wait3A_36 = arith.constant 0 : i32
        %dma_wait3A_37 = tpu.memref_slice %arg3[%dma_wait3A_35, %dma_wait3A_36] : memref<1000000x32xf32, #tpu.memory_space<hbm>> -> memref<1000000x32xf32, #tpu.memory_space<hbm>>
        tpu.wait_indirect_dma semaphore(%arg9 : memref<!tpu.dma_semaphore, #tpu.memory_space<semaphore_mem>>) src(%dma_wait3A_37 : memref<1000000x32xf32, #tpu.memory_space<hbm>>) dst(%arg6 : memref<520x32xf32, #tpu.memory_space<vmem>>)
        %broadcast_in_dim3A = arith.constant 0.000000e+00 : f32
        %broadcast_in_dim3A_38 = vector.broadcast %broadcast_in_dim3A : f32 to vector<16xf32>
        %scan3A_39 = arith.constant 0 : i32
        %scan3A_40 = arith.constant 260 : i32
        %scan3A_41 = arith.addi %scan3A_39, %scan3A_40 : i32
        %scan3A_42 = arith.constant 4 : i32
        %scan3A_43:4 = scf.for %scan3A_62 = %scan3A_39 to %scan3A_41 step %scan3A_42 iter_args(%scan3A_63 = %broadcast_in_dim3A_38, %scan3A_64 = %broadcast_in_dim3A_38, %scan3A_65 = %broadcast_in_dim3A_38, %scan3A_66 = %broadcast_in_dim3A_38) -> (vector<16xf32>, vector<16xf32>, vector<16xf32>, vector<16xf32>)  : i32 {
          %get3A = arith.index_cast %scan3A_62 : i32 to index
          %get3A_67 = arith.constant 0 : index
          %get3A_68 = tpu.vector_load %arg6[%get3A, %get3A_67] {strides = array<i32>} : memref<520x32xf32, #tpu.memory_space<vmem>>, vector<1x16xf32>,
          %get3A_69 = vector.shape_cast %get3A_68 : vector<1x16xf32> to vector<16xf32>
          %add3A_70 = arith.addf %scan3A_63, %get3A_69 : vector<16xf32>
          %get3A_71 = arith.index_cast %scan3A_62 : i32 to index
          %get3A_72 = arith.constant 16 : index
          %get3A_73 = tpu.vector_load %arg6[%get3A_71, %get3A_72] {strides = array<i32>} : memref<520x32xf32, #tpu.memory_space<vmem>>, vector<1x16xf32>,
          %get3A_74 = vector.shape_cast %get3A_73 : vector<1x16xf32> to vector<16xf32>
          %add3A_75 = arith.addf %scan3A_64, %get3A_74 : vector<16xf32>
          %add3A_76 = arith.constant 260 : i32
          %add3A_77 = arith.addi %add3A_76, %scan3A_62 : i32
          %get3A_78 = arith.index_cast %add3A_77 : i32 to index
          %get3A_79 = arith.constant 0 : index
          %get3A_80 = tpu.vector_load %arg6[%get3A_78, %get3A_79] {strides = array<i32>} : memref<520x32xf32, #tpu.memory_space<vmem>>, vector<1x16xf32>,
          %get3A_81 = vector.shape_cast %get3A_80 : vector<1x16xf32> to vector<16xf32>
          %add3A_82 = arith.addf %scan3A_65, %get3A_81 : vector<16xf32>
          %add3A_83 = arith.constant 260 : i32
          %add3A_84 = arith.addi %add3A_83, %scan3A_62 : i32
          %get3A_85 = arith.index_cast %add3A_84 : i32 to index
          %get3A_86 = arith.constant 16 : index
          %get3A_87 = tpu.vector_load %arg6[%get3A_85, %get3A_86] {strides = array<i32>} : memref<520x32xf32, #tpu.memory_space<vmem>>, vector<1x16xf32>,
          %get3A_88 = vector.shape_cast %get3A_87 : vector<1x16xf32> to vector<16xf32>
          %add3A_89 = arith.addf %scan3A_66, %get3A_88 : vector<16xf32>
          %scan3A_90 = arith.constant 1 : i32
          %scan3A_91 = arith.addi %scan3A_62, %scan3A_90 : i32
          %get3A_92 = arith.index_cast %scan3A_91 : i32 to index
          %get3A_93 = arith.constant 0 : index
          %get3A_94 = tpu.vector_load %arg6[%get3A_92, %get3A_93] {strides = array<i32>} : memref<520x32xf32, #tpu.memory_space<vmem>>, vector<1x16xf32>,
          %get3A_95 = vector.shape_cast %get3A_94 : vector<1x16xf32> to vector<16xf32>
          %add3A_96 = arith.addf %add3A_70, %get3A_95 : vector<16xf32>
          %get3A_97 = arith.index_cast %scan3A_91 : i32 to index
          %get3A_98 = arith.constant 16 : index
          %get3A_99 = tpu.vector_load %arg6[%get3A_97, %get3A_98] {strides = array<i32>} : memref<520x32xf32, #tpu.memory_space<vmem>>, vector<1x16xf32>,
          %get3A_100 = vector.shape_cast %get3A_99 : vector<1x16xf32> to vector<16xf32>
          %add3A_101 = arith.addf %add3A_75, %get3A_100 : vector<16xf32>
          %add3A_102 = arith.constant 260 : i32
          %add3A_103 = arith.addi %add3A_102, %scan3A_91 : i32
          %get3A_104 = arith.index_cast %add3A_103 : i32 to index
          %get3A_105 = arith.constant 0 : index
          %get3A_106 = tpu.vector_load %arg6[%get3A_104, %get3A_105] {strides = array<i32>} : memref<520x32xf32, #tpu.memory_space<vmem>>, vector<1x16xf32>,
          %get3A_107 = vector.shape_cast %get3A_106 : vector<1x16xf32> to vector<16xf32>
          %add3A_108 = arith.addf %add3A_82, %get3A_107 : vector<16xf32>
          %add3A_109 = arith.constant 260 : i32
          %add3A_110 = arith.addi %add3A_109, %scan3A_91 : i32
          %get3A_111 = arith.index_cast %add3A_110 : i32 to index
          %get3A_112 = arith.constant 16 : index
          %get3A_113 = tpu.vector_load %arg6[%get3A_111, %get3A_112] {strides = array<i32>} : memref<520x32xf32, #tpu.memory_space<vmem>>, vector<1x16xf32>,
          %get3A_114 = vector.shape_cast %get3A_113 : vector<1x16xf32> to vector<16xf32>
          %add3A_115 = arith.addf %add3A_89, %get3A_114 : vector<16xf32>
          %scan3A_116 = arith.constant 2 : i32
          %scan3A_117 = arith.addi %scan3A_62, %scan3A_116 : i32
          %get3A_118 = arith.index_cast %scan3A_117 : i32 to index
          %get3A_119 = arith.constant 0 : index
          %get3A_120 = tpu.vector_load %arg6[%get3A_118, %get3A_119] {strides = array<i32>} : memref<520x32xf32, #tpu.memory_space<vmem>>, vector<1x16xf32>,
          %get3A_121 = vector.shape_cast %get3A_120 : vector<1x16xf32> to vector<16xf32>
          %add3A_122 = arith.addf %add3A_96, %get3A_121 : vector<16xf32>
          %get3A_123 = arith.index_cast %scan3A_117 : i32 to index
          %get3A_124 = arith.constant 16 : index
          %get3A_125 = tpu.vector_load %arg6[%get3A_123, %get3A_124] {strides = array<i32>} : memref<520x32xf32, #tpu.memory_space<vmem>>, vector<1x16xf32>,
          %get3A_126 = vector.shape_cast %get3A_125 : vector<1x16xf32> to vector<16xf32>
          %add3A_127 = arith.addf %add3A_101, %get3A_126 : vector<16xf32>
          %add3A_128 = arith.constant 260 : i32
          %add3A_129 = arith.addi %add3A_128, %scan3A_117 : i32
          %get3A_130 = arith.index_cast %add3A_129 : i32 to index
          %get3A_131 = arith.constant 0 : index
          %get3A_132 = tpu.vector_load %arg6[%get3A_130, %get3A_131] {strides = array<i32>} : memref<520x32xf32, #tpu.memory_space<vmem>>, vector<1x16xf32>,
          %get3A_133 = vector.shape_cast %get3A_132 : vector<1x16xf32> to vector<16xf32>
          %add3A_134 = arith.addf %add3A_108, %get3A_133 : vector<16xf32>
          %add3A_135 = arith.constant 260 : i32
          %add3A_136 = arith.addi %add3A_135, %scan3A_117 : i32
          %get3A_137 = arith.index_cast %add3A_136 : i32 to index
          %get3A_138 = arith.constant 16 : index
          %get3A_139 = tpu.vector_load %arg6[%get3A_137, %get3A_138] {strides = array<i32>} : memref<520x32xf32, #tpu.memory_space<vmem>>, vector<1x16xf32>,
          %get3A_140 = vector.shape_cast %get3A_139 : vector<1x16xf32> to vector<16xf32>
          %add3A_141 = arith.addf %add3A_115, %get3A_140 : vector<16xf32>
          %scan3A_142 = arith.constant 3 : i32
          %scan3A_143 = arith.addi %scan3A_62, %scan3A_142 : i32
          %get3A_144 = arith.index_cast %scan3A_143 : i32 to index
          %get3A_145 = arith.constant 0 : index
          %get3A_146 = tpu.vector_load %arg6[%get3A_144, %get3A_145] {strides = array<i32>} : memref<520x32xf32, #tpu.memory_space<vmem>>, vector<1x16xf32>,
          %get3A_147 = vector.shape_cast %get3A_146 : vector<1x16xf32> to vector<16xf32>
          %add3A_148 = arith.addf %add3A_122, %get3A_147 : vector<16xf32>
          %get3A_149 = arith.index_cast %scan3A_143 : i32 to index
          %get3A_150 = arith.constant 16 : index
          %get3A_151 = tpu.vector_load %arg6[%get3A_149, %get3A_150] {strides = array<i32>} : memref<520x32xf32, #tpu.memory_space<vmem>>, vector<1x16xf32>,
          %get3A_152 = vector.shape_cast %get3A_151 : vector<1x16xf32> to vector<16xf32>
          %add3A_153 = arith.addf %add3A_127, %get3A_152 : vector<16xf32>
          %add3A_154 = arith.constant 260 : i32
          %add3A_155 = arith.addi %add3A_154, %scan3A_143 : i32
          %get3A_156 = arith.index_cast %add3A_155 : i32 to index
          %get3A_157 = arith.constant 0 : index
          %get3A_158 = tpu.vector_load %arg6[%get3A_156, %get3A_157] {strides = array<i32>} : memref<520x32xf32, #tpu.memory_space<vmem>>, vector<1x16xf32>,
          %get3A_159 = vector.shape_cast %get3A_158 : vector<1x16xf32> to vector<16xf32>
          %add3A_160 = arith.addf %add3A_134, %get3A_159 : vector<16xf32>
          %add3A_161 = arith.constant 260 : i32
          %add3A_162 = arith.addi %add3A_161, %scan3A_143 : i32
          %get3A_163 = arith.index_cast %add3A_162 : i32 to index
          %get3A_164 = arith.constant 16 : index
          %get3A_165 = tpu.vector_load %arg6[%get3A_163, %get3A_164] {strides = array<i32>} : memref<520x32xf32, #tpu.memory_space<vmem>>, vector<1x16xf32>,
          %get3A_166 = vector.shape_cast %get3A_165 : vector<1x16xf32> to vector<16xf32>
          %add3A_167 = arith.addf %add3A_141, %get3A_166 : vector<16xf32>
          scf.yield %add3A_148, %add3A_153, %add3A_160, %add3A_167 : vector<16xf32>, vector<16xf32>, vector<16xf32>, vector<16xf32>
        }
        %scan3A_44 = arith.constant 260 : i32
        %add3A_45 = arith.addf %scan3A_43#0, %scan3A_43#2 : vector<16xf32>
        %swap3A = arith.index_cast %scan3A_22 : i32 to index
        %swap3A_46 = arith.constant 0 : index
        %swap3A_47 = tpu.vector_load %arg8[%swap3A, %swap3A_46] {strides = array<i32>} : memref<128x32xf32, #tpu.memory_space<vmem>>, vector<1x16xf32>,
        %swap3A_48 = vector.shape_cast %swap3A_47 : vector<1x16xf32> to vector<16xf32>
        %swap3A_49 = vector.shape_cast %add3A_45 : vector<16xf32> to vector<1x16xf32>
        tpu.vector_store %arg8[%swap3A, %swap3A_46], %swap3A_49 {strides = array<i32>} : memref<128x32xf32, #tpu.memory_space<vmem>>, vector<1x16xf32>,
        %add3A_50 = arith.addf %scan3A_43#1, %scan3A_43#3 : vector<16xf32>
        %swap3A_51 = arith.index_cast %scan3A_22 : i32 to index
        %swap3A_52 = arith.constant 16 : index
        %swap3A_53 = tpu.vector_load %arg8[%swap3A_51, %swap3A_52] {strides = array<i32>} : memref<128x32xf32, #tpu.memory_space<vmem>>, vector<1x16xf32>,
        %swap3A_54 = vector.shape_cast %swap3A_53 : vector<1x16xf32> to vector<16xf32>
        %swap3A_55 = vector.shape_cast %add3A_50 : vector<16xf32> to vector<1x16xf32>
        tpu.vector_store %arg8[%swap3A_51, %swap3A_52], %swap3A_55 {strides = array<i32>} : memref<128x32xf32, #tpu.memory_space<vmem>>, vector<1x16xf32>,
        %add3A_56 = arith.constant 2 : i32
        %add3A_57 = arith.addi %scan3A_22, %add3A_56 : i32
        %lt3A = arith.constant 128 : i32
        %lt3A_58 = arith.cmpi slt, %add3A_57, %lt3A : i32
        %convert_element_type3A_59 = arith.extui %lt3A_58 : i1 to i32
        %cond3A_60 = arith.constant 0 : i32
        %cond3A_61 = arith.cmpi ne, %convert_element_type3A_59, %cond3A_60 : i32
        scf.if %cond3A_61 {
          %mul3A_62 = arith.constant 520 : i32
          %mul3A_63 = arith.muli %add3A_57, %mul3A_62 : i32
          %dma_start3A_64 = tpu.memref_slice %arg5[%mul3A_63] : memref<66560xi32, #tpu.memory_space<vmem>> -> memref<520xi32, #tpu.memory_space<vmem>>
          %dma_start3A_65 = arith.constant 0 : i32
          %dma_start3A_66 = arith.constant 0 : i32
          %dma_start3A_67 = tpu.memref_slice %arg3[%dma_start3A_65, %dma_start3A_66] : memref<1000000x32xf32, #tpu.memory_space<hbm>> -> memref<1000000x32xf32, #tpu.memory_space<hbm>>
          tpu.enqueue_indirect_dma source(%dma_start3A_67 : memref<1000000x32xf32, #tpu.memory_space<hbm>>) target(%arg6 : memref<520x32xf32, #tpu.memory_space<vmem>>) offsets(%dma_start3A_64 : memref<520xi32, #tpu.memory_space<vmem>>) semaphore(%arg9 : memref<!tpu.dma_semaphore, #tpu.memory_space<semaphore_mem>>)
        } else {
        }
      } else {
      }
      %eq3A_27 = arith.constant 1 : i32
      %eq3A_28 = arith.cmpi eq, %rem3A_24, %eq3A_27 : i32
      %convert_element_type3A_29 = arith.extui %eq3A_28 : i1 to i32
      %cond3A_30 = arith.constant 0 : i32
      %cond3A_31 = arith.cmpi ne, %convert_element_type3A_29, %cond3A_30 : i32
      scf.if %cond3A_31 {
        %mul3A_33 = arith.constant 520 : i32
        %mul3A_34 = arith.muli %scan3A_22, %mul3A_33 : i32
        %dma_wait3A = tpu.memref_slice %arg5[%mul3A_34] : memref<66560xi32, #tpu.memory_space<vmem>> -> memref<520xi32, #tpu.memory_space<vmem>>
        %dma_wait3A_35 = arith.constant 0 : i32
        %dma_wait3A_36 = arith.constant 0 : i32
        %dma_wait3A_37 = tpu.memref_slice %arg3[%dma_wait3A_35, %dma_wait3A_36] : memref<1000000x32xf32, #tpu.memory_space<hbm>> -> memref<1000000x32xf32, #tpu.memory_space<hbm>>
        tpu.wait_indirect_dma semaphore(%arg10 : memref<!tpu.dma_semaphore, #tpu.memory_space<semaphore_mem>>) src(%dma_wait3A_37 : memref<1000000x32xf32, #tpu.memory_space<hbm>>) dst(%arg7 : memref<520x32xf32, #tpu.memory_space<vmem>>)
        %broadcast_in_dim3A = arith.constant 0.000000e+00 : f32
        %broadcast_in_dim3A_38 = vector.broadcast %broadcast_in_dim3A : f32 to vector<16xf32>
        %scan3A_39 = arith.constant 0 : i32
        %scan3A_40 = arith.constant 260 : i32
        %scan3A_41 = arith.addi %scan3A_39, %scan3A_40 : i32
        %scan3A_42 = arith.constant 4 : i32
        %scan3A_43:4 = scf.for %scan3A_62 = %scan3A_39 to %scan3A_41 step %scan3A_42 iter_args(%scan3A_63 = %broadcast_in_dim3A_38, %scan3A_64 = %broadcast_in_dim3A_38, %scan3A_65 = %broadcast_in_dim3A_38, %scan3A_66 = %broadcast_in_dim3A_38) -> (vector<16xf32>, vector<16xf32>, vector<16xf32>, vector<16xf32>)  : i32 {
          %get3A = arith.index_cast %scan3A_62 : i32 to index
          %get3A_67 = arith.constant 0 : index
          %get3A_68 = tpu.vector_load %arg7[%get3A, %get3A_67] {strides = array<i32>} : memref<520x32xf32, #tpu.memory_space<vmem>>, vector<1x16xf32>,
          %get3A_69 = vector.shape_cast %get3A_68 : vector<1x16xf32> to vector<16xf32>
          %add3A_70 = arith.addf %scan3A_63, %get3A_69 : vector<16xf32>
          %get3A_71 = arith.index_cast %scan3A_62 : i32 to index
          %get3A_72 = arith.constant 16 : index
          %get3A_73 = tpu.vector_load %arg7[%get3A_71, %get3A_72] {strides = array<i32>} : memref<520x32xf32, #tpu.memory_space<vmem>>, vector<1x16xf32>,
          %get3A_74 = vector.shape_cast %get3A_73 : vector<1x16xf32> to vector<16xf32>
          %add3A_75 = arith.addf %scan3A_64, %get3A_74 : vector<16xf32>
          %add3A_76 = arith.constant 260 : i32
          %add3A_77 = arith.addi %add3A_76, %scan3A_62 : i32
          %get3A_78 = arith.index_cast %add3A_77 : i32 to index
          %get3A_79 = arith.constant 0 : index
          %get3A_80 = tpu.vector_load %arg7[%get3A_78, %get3A_79] {strides = array<i32>} : memref<520x32xf32, #tpu.memory_space<vmem>>, vector<1x16xf32>,
          %get3A_81 = vector.shape_cast %get3A_80 : vector<1x16xf32> to vector<16xf32>
          %add3A_82 = arith.addf %scan3A_65, %get3A_81 : vector<16xf32>
          %add3A_83 = arith.constant 260 : i32
          %add3A_84 = arith.addi %add3A_83, %scan3A_62 : i32
          %get3A_85 = arith.index_cast %add3A_84 : i32 to index
          %get3A_86 = arith.constant 16 : index
          %get3A_87 = tpu.vector_load %arg7[%get3A_85, %get3A_86] {strides = array<i32>} : memref<520x32xf32, #tpu.memory_space<vmem>>, vector<1x16xf32>,
          %get3A_88 = vector.shape_cast %get3A_87 : vector<1x16xf32> to vector<16xf32>
          %add3A_89 = arith.addf %scan3A_66, %get3A_88 : vector<16xf32>
          %scan3A_90 = arith.constant 1 : i32
          %scan3A_91 = arith.addi %scan3A_62, %scan3A_90 : i32
          %get3A_92 = arith.index_cast %scan3A_91 : i32 to index
          %get3A_93 = arith.constant 0 : index
          %get3A_94 = tpu.vector_load %arg7[%get3A_92, %get3A_93] {strides = array<i32>} : memref<520x32xf32, #tpu.memory_space<vmem>>, vector<1x16xf32>,
          %get3A_95 = vector.shape_cast %get3A_94 : vector<1x16xf32> to vector<16xf32>
          %add3A_96 = arith.addf %add3A_70, %get3A_95 : vector<16xf32>
          %get3A_97 = arith.index_cast %scan3A_91 : i32 to index
          %get3A_98 = arith.constant 16 : index
          %get3A_99 = tpu.vector_load %arg7[%get3A_97, %get3A_98] {strides = array<i32>} : memref<520x32xf32, #tpu.memory_space<vmem>>, vector<1x16xf32>,
          %get3A_100 = vector.shape_cast %get3A_99 : vector<1x16xf32> to vector<16xf32>
          %add3A_101 = arith.addf %add3A_75, %get3A_100 : vector<16xf32>
          %add3A_102 = arith.constant 260 : i32
          %add3A_103 = arith.addi %add3A_102, %scan3A_91 : i32
          %get3A_104 = arith.index_cast %add3A_103 : i32 to index
          %get3A_105 = arith.constant 0 : index
          %get3A_106 = tpu.vector_load %arg7[%get3A_104, %get3A_105] {strides = array<i32>} : memref<520x32xf32, #tpu.memory_space<vmem>>, vector<1x16xf32>,
          %get3A_107 = vector.shape_cast %get3A_106 : vector<1x16xf32> to vector<16xf32>
          %add3A_108 = arith.addf %add3A_82, %get3A_107 : vector<16xf32>
          %add3A_109 = arith.constant 260 : i32
          %add3A_110 = arith.addi %add3A_109, %scan3A_91 : i32
          %get3A_111 = arith.index_cast %add3A_110 : i32 to index
          %get3A_112 = arith.constant 16 : index
          %get3A_113 = tpu.vector_load %arg7[%get3A_111, %get3A_112] {strides = array<i32>} : memref<520x32xf32, #tpu.memory_space<vmem>>, vector<1x16xf32>,
          %get3A_114 = vector.shape_cast %get3A_113 : vector<1x16xf32> to vector<16xf32>
          %add3A_115 = arith.addf %add3A_89, %get3A_114 : vector<16xf32>
          %scan3A_116 = arith.constant 2 : i32
          %scan3A_117 = arith.addi %scan3A_62, %scan3A_116 : i32
          %get3A_118 = arith.index_cast %scan3A_117 : i32 to index
          %get3A_119 = arith.constant 0 : index
          %get3A_120 = tpu.vector_load %arg7[%get3A_118, %get3A_119] {strides = array<i32>} : memref<520x32xf32, #tpu.memory_space<vmem>>, vector<1x16xf32>,
          %get3A_121 = vector.shape_cast %get3A_120 : vector<1x16xf32> to vector<16xf32>
          %add3A_122 = arith.addf %add3A_96, %get3A_121 : vector<16xf32>
          %get3A_123 = arith.index_cast %scan3A_117 : i32 to index
          %get3A_124 = arith.constant 16 : index
          %get3A_125 = tpu.vector_load %arg7[%get3A_123, %get3A_124] {strides = array<i32>} : memref<520x32xf32, #tpu.memory_space<vmem>>, vector<1x16xf32>,
          %get3A_126 = vector.shape_cast %get3A_125 : vector<1x16xf32> to vector<16xf32>
          %add3A_127 = arith.addf %add3A_101, %get3A_126 : vector<16xf32>
          %add3A_128 = arith.constant 260 : i32
          %add3A_129 = arith.addi %add3A_128, %scan3A_117 : i32
          %get3A_130 = arith.index_cast %add3A_129 : i32 to index
          %get3A_131 = arith.constant 0 : index
          %get3A_132 = tpu.vector_load %arg7[%get3A_130, %get3A_131] {strides = array<i32>} : memref<520x32xf32, #tpu.memory_space<vmem>>, vector<1x16xf32>,
          %get3A_133 = vector.shape_cast %get3A_132 : vector<1x16xf32> to vector<16xf32>
          %add3A_134 = arith.addf %add3A_108, %get3A_133 : vector<16xf32>
          %add3A_135 = arith.constant 260 : i32
          %add3A_136 = arith.addi %add3A_135, %scan3A_117 : i32
          %get3A_137 = arith.index_cast %add3A_136 : i32 to index
          %get3A_138 = arith.constant 16 : index
          %get3A_139 = tpu.vector_load %arg7[%get3A_137, %get3A_138] {strides = array<i32>} : memref<520x32xf32, #tpu.memory_space<vmem>>, vector<1x16xf32>,
          %get3A_140 = vector.shape_cast %get3A_139 : vector<1x16xf32> to vector<16xf32>
          %add3A_141 = arith.addf %add3A_115, %get3A_140 : vector<16xf32>
          %scan3A_142 = arith.constant 3 : i32
          %scan3A_143 = arith.addi %scan3A_62, %scan3A_142 : i32
          %get3A_144 = arith.index_cast %scan3A_143 : i32 to index
          %get3A_145 = arith.constant 0 : index
          %get3A_146 = tpu.vector_load %arg7[%get3A_144, %get3A_145] {strides = array<i32>} : memref<520x32xf32, #tpu.memory_space<vmem>>, vector<1x16xf32>,
          %get3A_147 = vector.shape_cast %get3A_146 : vector<1x16xf32> to vector<16xf32>
          %add3A_148 = arith.addf %add3A_122, %get3A_147 : vector<16xf32>
          %get3A_149 = arith.index_cast %scan3A_143 : i32 to index
          %get3A_150 = arith.constant 16 : index
          %get3A_151 = tpu.vector_load %arg7[%get3A_149, %get3A_150] {strides = array<i32>} : memref<520x32xf32, #tpu.memory_space<vmem>>, vector<1x16xf32>,
          %get3A_152 = vector.shape_cast %get3A_151 : vector<1x16xf32> to vector<16xf32>
          %add3A_153 = arith.addf %add3A_127, %get3A_152 : vector<16xf32>
          %add3A_154 = arith.constant 260 : i32
          %add3A_155 = arith.addi %add3A_154, %scan3A_143 : i32
          %get3A_156 = arith.index_cast %add3A_155 : i32 to index
          %get3A_157 = arith.constant 0 : index
          %get3A_158 = tpu.vector_load %arg7[%get3A_156, %get3A_157] {strides = array<i32>} : memref<520x32xf32, #tpu.memory_space<vmem>>, vector<1x16xf32>,
          %get3A_159 = vector.shape_cast %get3A_158 : vector<1x16xf32> to vector<16xf32>
          %add3A_160 = arith.addf %add3A_134, %get3A_159 : vector<16xf32>
          %add3A_161 = arith.constant 260 : i32
          %add3A_162 = arith.addi %add3A_161, %scan3A_143 : i32
          %get3A_163 = arith.index_cast %add3A_162 : i32 to index
          %get3A_164 = arith.constant 16 : index
          %get3A_165 = tpu.vector_load %arg7[%get3A_163, %get3A_164] {strides = array<i32>} : memref<520x32xf32, #tpu.memory_space<vmem>>, vector<1x16xf32>,
          %get3A_166 = vector.shape_cast %get3A_165 : vector<1x16xf32> to vector<16xf32>
          %add3A_167 = arith.addf %add3A_141, %get3A_166 : vector<16xf32>
          scf.yield %add3A_148, %add3A_153, %add3A_160, %add3A_167 : vector<16xf32>, vector<16xf32>, vector<16xf32>, vector<16xf32>
        }
        %scan3A_44 = arith.constant 260 : i32
        %add3A_45 = arith.addf %scan3A_43#0, %scan3A_43#2 : vector<16xf32>
        %swap3A = arith.index_cast %scan3A_22 : i32 to index
        %swap3A_46 = arith.constant 0 : index
        %swap3A_47 = tpu.vector_load %arg8[%swap3A, %swap3A_46] {strides = array<i32>} : memref<128x32xf32, #tpu.memory_space<vmem>>, vector<1x16xf32>,
        %swap3A_48 = vector.shape_cast %swap3A_47 : vector<1x16xf32> to vector<16xf32>
        %swap3A_49 = vector.shape_cast %add3A_45 : vector<16xf32> to vector<1x16xf32>
        tpu.vector_store %arg8[%swap3A, %swap3A_46], %swap3A_49 {strides = array<i32>} : memref<128x32xf32, #tpu.memory_space<vmem>>, vector<1x16xf32>,
        %add3A_50 = arith.addf %scan3A_43#1, %scan3A_43#3 : vector<16xf32>
        %swap3A_51 = arith.index_cast %scan3A_22 : i32 to index
        %swap3A_52 = arith.constant 16 : index
        %swap3A_53 = tpu.vector_load %arg8[%swap3A_51, %swap3A_52] {strides = array<i32>} : memref<128x32xf32, #tpu.memory_space<vmem>>, vector<1x16xf32>,
        %swap3A_54 = vector.shape_cast %swap3A_53 : vector<1x16xf32> to vector<16xf32>
        %swap3A_55 = vector.shape_cast %add3A_50 : vector<16xf32> to vector<1x16xf32>
        tpu.vector_store %arg8[%swap3A_51, %swap3A_52], %swap3A_55 {strides = array<i32>} : memref<128x32xf32, #tpu.memory_space<vmem>>, vector<1x16xf32>,
        %add3A_56 = arith.constant 2 : i32
        %add3A_57 = arith.addi %scan3A_22, %add3A_56 : i32
        %lt3A = arith.constant 128 : i32
        %lt3A_58 = arith.cmpi slt, %add3A_57, %lt3A : i32
        %convert_element_type3A_59 = arith.extui %lt3A_58 : i1 to i32
        %cond3A_60 = arith.constant 0 : i32
        %cond3A_61 = arith.cmpi ne, %convert_element_type3A_59, %cond3A_60 : i32
        scf.if %cond3A_61 {
          %mul3A_62 = arith.constant 520 : i32
          %mul3A_63 = arith.muli %add3A_57, %mul3A_62 : i32
          %dma_start3A_64 = tpu.memref_slice %arg5[%mul3A_63] : memref<66560xi32, #tpu.memory_space<vmem>> -> memref<520xi32, #tpu.memory_space<vmem>>
          %dma_start3A_65 = arith.constant 0 : i32
          %dma_start3A_66 = arith.constant 0 : i32
          %dma_start3A_67 = tpu.memref_slice %arg3[%dma_start3A_65, %dma_start3A_66] : memref<1000000x32xf32, #tpu.memory_space<hbm>> -> memref<1000000x32xf32, #tpu.memory_space<hbm>>
          tpu.enqueue_indirect_dma source(%dma_start3A_67 : memref<1000000x32xf32, #tpu.memory_space<hbm>>) target(%arg7 : memref<520x32xf32, #tpu.memory_space<vmem>>) offsets(%dma_start3A_64 : memref<520xi32, #tpu.memory_space<vmem>>) semaphore(%arg10 : memref<!tpu.dma_semaphore, #tpu.memory_space<semaphore_mem>>)
        } else {
        }
      } else {
      }
      %scan3A_32 = arith.constant 0 : i32
      scf.yield %scan3A_32 : i32
    }
    %scan3A_19 = arith.constant 128 : i32
    %mul3A_20 = arith.constant 128 : i32
    %mul3A_21 = arith.muli %add3A, %mul3A_20 : i32
    "tpu.region"() ({
      %run_scoped3A = tpu.sem_alloc : memref<!tpu.dma_semaphore, #tpu.memory_space<semaphore_mem>>
      %dma_start3A_22 = arith.constant 0 : i32
      %dma_start3A_23 = tpu.memref_slice %arg4[%mul3A_21, %dma_start3A_22] : memref<4096x32xf32, #tpu.memory_space<hbm>> -> memref<128x32xf32, #tpu.memory_space<hbm>>
      %dma_start3A_24 = arith.constant 0 : i32
      %dma_start3A_25 = tpu.memref_slice %arg4[%mul3A_21, %dma_start3A_24] : memref<4096x32xf32, #tpu.memory_space<hbm>> -> memref<128x32xf32, #tpu.memory_space<hbm>>
      tpu.enqueue_dma source(%arg8 : memref<128x32xf32, #tpu.memory_space<vmem>>) target(%dma_start3A_25 : memref<128x32xf32, #tpu.memory_space<hbm>>) target_semaphore(%run_scoped3A : memref<!tpu.dma_semaphore, #tpu.memory_space<semaphore_mem>>)
      %dma_wait3A = arith.constant 0 : i32
      %dma_wait3A_26 = tpu.memref_slice %arg4[%mul3A_21, %dma_wait3A] : memref<4096x32xf32, #tpu.memory_space<hbm>> -> memref<128x32xf32, #tpu.memory_space<hbm>>
      %dma_wait3A_27 = arith.constant 0 : i32
      %dma_wait3A_28 = tpu.memref_slice %arg4[%mul3A_21, %dma_wait3A_27] : memref<4096x32xf32, #tpu.memory_space<hbm>> -> memref<128x32xf32, #tpu.memory_space<hbm>>
      tpu.wait_dma2 semaphore(%run_scoped3A : memref<!tpu.dma_semaphore, #tpu.memory_space<semaphore_mem>>) src(%arg8 : memref<128x32xf32, #tpu.memory_space<vmem>>) dst(%dma_wait3A_28 : memref<128x32xf32, #tpu.memory_space<hbm>>)
      tpu.yield
    }) : () -> ()
    return
  }
}

module attributes {stable_mosaic.version = 14 : i64} {
  func.func @body(%arg0: i32, %arg1: memref<32x16384xf32, #tpu.memory_space<vmem>>, %arg2: memref<4096x128xf32, #tpu.memory_space<vmem>>) attributes {dimension_semantics = [#tpu.dimension_semantics<arbitrary>], iteration_bounds = array<i64: 62>, scalar_prefetch = 0 : i64, scratch_operands = 0 : i64, tpu.core_type = #tpu.core_type<tc>, window_params = [{transform_indices = @transform_0, window_bounds = array<i64: 32, 16384>}, {transform_indices = @transform_1, window_bounds = array<i64: 4096, 128>}]} {
    %get3A = arith.constant 0 : index
    %get3A_0 = arith.constant 0 : index
    %get3A_1 = vector.load %arg1[%get3A, %get3A_0] : memref<32x16384xf32, #tpu.memory_space<vmem>>, vector<32x16384xf32>
    %transpose3A = tpu.transpose %get3A_1, [1, 0] : vector<32x16384xf32> -> vector<16384x32xf32>
    %reshape3A = vector.shape_cast %transpose3A : vector<16384x32xf32> to vector<4096x4x32xf32>
    %slice3A = vector.extract_strided_slice %reshape3A {offsets = [0, 0, 0], sizes = [4096, 1, 32], strides = [1, 1, 1]} : vector<4096x4x32xf32> to vector<4096x1x32xf32>
    %squeeze3A = vector.shape_cast %slice3A : vector<4096x1x32xf32> to vector<4096x32xf32>
    %swap3A = arith.constant 0 : index
    %swap3A_2 = arith.constant 0 : index
    %swap3A_3 = vector.load %arg2[%swap3A, %swap3A_2] : memref<4096x128xf32, #tpu.memory_space<vmem>>, vector<4096x32xf32>
    tpu.vector_store %arg2[%swap3A, %swap3A_2], %squeeze3A {strides = array<i32>} : memref<4096x128xf32, #tpu.memory_space<vmem>>, vector<4096x32xf32>,
    %slice3A_4 = vector.extract_strided_slice %reshape3A {offsets = [0, 1, 0], sizes = [4096, 1, 32], strides = [1, 1, 1]} : vector<4096x4x32xf32> to vector<4096x1x32xf32>
    %squeeze3A_5 = vector.shape_cast %slice3A_4 : vector<4096x1x32xf32> to vector<4096x32xf32>
    %swap3A_6 = arith.constant 0 : index
    %swap3A_7 = arith.constant 32 : index
    %swap3A_8 = vector.load %arg2[%swap3A_6, %swap3A_7] : memref<4096x128xf32, #tpu.memory_space<vmem>>, vector<4096x32xf32>
    tpu.vector_store %arg2[%swap3A_6, %swap3A_7], %squeeze3A_5 {strides = array<i32>} : memref<4096x128xf32, #tpu.memory_space<vmem>>, vector<4096x32xf32>,
    %slice3A_9 = vector.extract_strided_slice %reshape3A {offsets = [0, 2, 0], sizes = [4096, 1, 32], strides = [1, 1, 1]} : vector<4096x4x32xf32> to vector<4096x1x32xf32>
    %squeeze3A_10 = vector.shape_cast %slice3A_9 : vector<4096x1x32xf32> to vector<4096x32xf32>
    %swap3A_11 = arith.constant 0 : index
    %swap3A_12 = arith.constant 64 : index
    %swap3A_13 = vector.load %arg2[%swap3A_11, %swap3A_12] : memref<4096x128xf32, #tpu.memory_space<vmem>>, vector<4096x32xf32>
    tpu.vector_store %arg2[%swap3A_11, %swap3A_12], %squeeze3A_10 {strides = array<i32>} : memref<4096x128xf32, #tpu.memory_space<vmem>>, vector<4096x32xf32>,
    %slice3A_14 = vector.extract_strided_slice %reshape3A {offsets = [0, 3, 0], sizes = [4096, 1, 32], strides = [1, 1, 1]} : vector<4096x4x32xf32> to vector<4096x1x32xf32>
    %squeeze3A_15 = vector.shape_cast %slice3A_14 : vector<4096x1x32xf32> to vector<4096x32xf32>
    %swap3A_16 = arith.constant 0 : index
    %swap3A_17 = arith.constant 96 : index
    %swap3A_18 = vector.load %arg2[%swap3A_16, %swap3A_17] : memref<4096x128xf32, #tpu.memory_space<vmem>>, vector<4096x32xf32>
    tpu.vector_store %arg2[%swap3A_16, %swap3A_17], %squeeze3A_15 {strides = array<i32>} : memref<4096x128xf32, #tpu.memory_space<vmem>>, vector<4096x32xf32>,
    return
  }
  func.func @transform_0(%arg0: i32) -> (i32, i32) {
    %c0_i32 = arith.constant 0 : i32
    %c0_i32_0 = arith.constant 0 : i32
    return %c0_i32, %arg0 : i32, i32
  }
  func.func @transform_1(%arg0: i32) -> (i32, i32) {
    %c0_i32 = arith.constant 0 : i32
    %c0_i32_0 = arith.constant 0 : i32
    return %arg0, %c0_i32 : i32, i32
  }
}

module attributes {stable_mosaic.version = 14 : i64} {
  func.func @mm(%arg0: memref<4096x32xf32, #tpu.memory_space<vmem>>, %arg1: memref<32x128xf32, #tpu.memory_space<vmem>>, %arg2: memref<1x128xf32, #tpu.memory_space<vmem>>, %arg3: memref<4096x128xf32, #tpu.memory_space<vmem>>) attributes {dimension_semantics = [], scalar_prefetch = 0 : i64, scratch_operands = 0 : i64, tpu.core_type = #tpu.core_type<tc>} {
    %get3A = arith.constant 0 : index
    %get3A_0 = arith.constant 0 : index
    %get3A_1 = vector.load %arg0[%get3A, %get3A_0] : memref<4096x32xf32, #tpu.memory_space<vmem>>, vector<4096x32xf32>
    %mul3A = arith.constant 0.00192307692 : f32
    %mul3A_2 = vector.broadcast %mul3A : f32 to vector<4096x32xf32>
    %mul3A_3 = arith.mulf %get3A_1, %mul3A_2 : vector<4096x32xf32>
    %get3A_4 = arith.constant 0 : index
    %get3A_5 = arith.constant 0 : index
    %get3A_6 = vector.load %arg1[%get3A_4, %get3A_5] : memref<32x128xf32, #tpu.memory_space<vmem>>, vector<32x128xf32>
    %dot_general3A = arith.constant dense<0.000000e+00> : vector<4096x128xf32>
    %dot_general3A_7 = tpu.matmul %mul3A_3, %get3A_6, %dot_general3A {dimension_numbers = #tpu.dot_dimension_numbers<[1], [0], [0], [1], [0, 0, 1, 1], [], []>, transpose_lhs_hint = false} : vector<4096x32xf32>, vector<32x128xf32>, vector<4096x128xf32> -> vector<4096x128xf32>
    %get3A_8 = arith.constant 0 : index
    %get3A_9 = arith.constant 0 : index
    %get3A_10 = vector.load %arg2[%get3A_8, %get3A_9] : memref<1x128xf32, #tpu.memory_space<vmem>>, vector<1x128xf32>
    %add3A = vector.broadcast %get3A_10 : vector<1x128xf32> to vector<4096x128xf32>
    %add3A_11 = arith.addf %dot_general3A_7, %add3A : vector<4096x128xf32>
    %swap3A = arith.constant 0 : index
    %swap3A_12 = arith.constant 0 : index
    %swap3A_13 = vector.load %arg3[%swap3A, %swap3A_12] : memref<4096x128xf32, #tpu.memory_space<vmem>>, vector<4096x128xf32>
    tpu.vector_store %arg3[%swap3A, %swap3A_12], %add3A_11 {strides = array<i32>} : memref<4096x128xf32, #tpu.memory_space<vmem>>, vector<4096x128xf32>,
    return
  }
}

</mosaic_0001>

<sc_bundles>
// kernel: kernel.5.cloned.1.call-start
scs
__scs_entry_jumppad:
0x0: {  	(pc) =	sbr.rel $0x88, $3  }
0x1: {  	(tag) =	ssettag $0x0;
	lr =	simm.s32 $0x1  }
0x2: {  	[smem:$0x3F9D] =	sst lr;
	_ =	strace $0xD0000000  }
0x3: {  	_ = 	snop  }
0x4: {  	_ = 	snop  }
0x5: {  	_ = 	snop  }
0x6: {  	_ = 	snop  }
0x7: {  	_ = 	snop  }
__scs_overlays_trampoline_lowered:
0x8: {  	[smem:$0x3FAC] =	sst s0  }
0x9: {  	[smem:$0x3FAD] =	sst s1  }
0xa: {  	[smem:$0x3FAE] =	sst s2  }
0xb: {  	[smem:$0x3FAF] =	sst s3  }
0xc: {  	[smem:$0x3FB0] =	sst s4  }
0xd: {  	[smem:$0x3FB1] =	sst s5  }
0xe: {  	[smem:$0x3FB2] =	sst s6  }
0xf: {  	[smem:$0x3FB3] =	sst s7  }
0x10: {  	[smem:$0x3FB4] =	sst s8  }
0x11: {  	[smem:$0x3FB5] =	sst s9;
	s0 =	simm.s32 @!p0 $0x0  }
0x12: {  	s1 =	sld [smem:$0x3F9B];
	s0 =	simm.s32 @p0 $0x1  }
0x13: {  	[smem:$0x3FB6] =	sst s0;
	s0 =	simm.s32 @!p1 $0x0  }
0x14: {  	s2 =	sld [smem:$0x3F9A];
	s0 =	simm.s32 @p1 $0x1  }
0x15: {  	[smem:$0x3FB7] =	sst s0;
	s0 =	simm.s32 @!p2 $0x0  }
0x16: {  	s3 =	sld [smem:$0x3FDB];
	s0 =	simm.s32 @p2 $0x1  }
0x17: {  	s4 =	simm.s32 $0x1BF5;
	[smem:$0x3FB9] =	sst s0  }
0x18: {  	s0 =	sld [smem:$0x3F9C];
	_ =	swait.ge [sflag:s4], $0x0  }
0x19: {  	s7 =	sld [smem:$0x3F9D]  }
0x1a: {  	s8 =	sadd.s32 $0xFFFFE003, lr  }
0x1b: {  	s9 =	sadd.s32 $0xFFFFFEF7, lr;
	s5 =	simm.s32 $0xFFFFFFFF;
	p2 =	slt.u32 s8, $0xFFFFF086  }
0x1c: {  	p1 =	slt.u32 s9, $0xF7A;
	s5 =	simm.s32 @!p2 $0x0  }
0x1d: {  	s5 =	simm.s32 @p1 $0x1;
	p0 =	seq.s32 s7, s2  }
0x1e: {  	s7 =	smul.u32 @!p0 $0xF7A, s2;
	p2 =	seq.s32 @!p0 s5, $0x0  }
0x1f: {  	s9 =	smul.u32 $0xF7A, s1;
	s8 =	simm.s32 @!p0 $0x1BF5;
	p2 =	por !p2, p0  }
0x20: {  	[sflag:s8] =	ssyncset.s32 @!p0 $0xFFFFF086;
	s6 =	sadd.s32 @!p0 s3, s7;
	s7 =	simm.s32 @!p0 $0x108  }
0x21: {  	s3 =	sadd.s32 s3, s9;
	s6 =	sadd.s32 @!p0 $0x88, s6;
	s7 =	simm.s32 @p2 $0x1082  }
0x22: {  	[simem:s7], [sflag:s8] =	dma.local @!p0 [hbm:s6], $0xF7A  }
0x23: {  	s9 =	sor.u32 $0xD0000000, s2;
	s6 =	simm.s32 $0x108;
	_ =	swait.ge @!p0 [sflag:s8], $0x0  }
0x24: {  	s3 =	sadd.s32 $0x88, s3;
	s6 =	simm.s32 @!p1 $0x1082;
	[sflag:s4] =	ssyncset.s32 $0xFFFFF086  }
0x25: {  	[simem:s6], [sflag:s4] =	dma.local [hbm:s3], $0xF7A  }
0x26: {  	[smem:$0x3F9D] =	sst s1;
	(tag) =	ssettag s2;
	_ =	strace s9  }
0x27: {  	s1 =	sld [smem:$0x3FAD]  }
0x28: {  	s2 =	sld [smem:$0x3FAE]  }
0x29: {  	s4 =	sld [smem:$0x3FB0]  }
0x2a: {  	p0 =	seq.s32 s5, $0x0;
	s5 =	sld [smem:$0x3FB1]  }
0x2b: {  	s6 =	sld [smem:$0x3FB2]  }
0x2c: {  	s7 =	sld [smem:$0x3FB3]  }
0x2d: {  	s3 =	simm.s32 $0x108;
	s8 =	sld [smem:$0x3FB4]  }
0x2e: {  	s3 =	simm.s32 @!p0 $0x1082;
	s9 =	sld [smem:$0x3FB5]  }
0x2f: {  	lr =	sadd.s32 s0, s3;
	s0 =	sld [smem:$0x3FAC]  }
0x30: {  	s3 =	sld [smem:$0x3FAF]  }
0x31: {  	[smem:$0x3FB8] =	sst s10  }
0x32: {  	s10 =	sld [smem:$0x3FB6];
	_ =	sdelay $0x3  }
0x33: {  	p0 =	seq.s32 s10, $0x1;
	s10 =	sld [smem:$0x3FB8];
	_ =	sdelay $0x3  }
0x34: {  	[smem:$0x3FB8] =	sst s10  }
0x35: {  	s10 =	sld [smem:$0x3FB7];
	_ =	sdelay $0x3  }
0x36: {  	p1 =	seq.s32 s10, $0x1;
	s10 =	sld [smem:$0x3FB8];
	_ =	sdelay $0x3  }
0x37: {  	[smem:$0x3FB8] =	sst s10  }
0x38: {  	s10 =	sld [smem:$0x3FB9]  }
0x39: {  	_ = 	snop;
	(pc) =	sbr.ind lr, $3  }
0x3a: {  	_ = 	snop  }
0x3b: {  	_ = 	snop  }
0x3c: {  	p2 =	seq.s32 s10, $0x1;
	s10 =	sld [smem:$0x3FB8]  }
0x3d: {  	_ =	shalt  }
0x3e: {  	_ =	shalt  }
0x3f: {  	_ =	shalt  }
0x40: {  	_ =	shalt  }
0x41: {  	_ =	shalt  }
0x42: {  	_ =	shalt  }
0x43: {  	_ =	shalt  }
0x44: {  	_ =	shalt  }
0x45: {  	_ =	shalt  }
0x46: {  	_ =	shalt  }
0x47: {  	_ =	shalt  }
0x48: {  	_ =	shalt  }
0x49: {  	_ =	shalt  }
0x4a: {  	_ =	shalt  }
0x4b: {  	_ =	shalt  }
0x4c: {  	_ =	shalt  }
0x4d: {  	_ =	shalt  }
0x4e: {  	_ =	shalt  }
0x4f: {  	_ =	shalt  }
0x50: {  	_ =	shalt  }
0x51: {  	_ =	shalt  }
0x52: {  	_ =	shalt  }
0x53: {  	_ =	shalt  }
0x54: {  	_ =	shalt  }
0x55: {  	_ =	shalt  }
0x56: {  	_ =	shalt  }
0x57: {  	_ =	shalt  }
0x58: {  	_ =	shalt  }
0x59: {  	_ =	shalt  }
0x5a: {  	_ =	shalt  }
0x5b: {  	_ =	shalt  }
0x5c: {  	_ =	shalt  }
0x5d: {  	_ =	shalt  }
0x5e: {  	_ =	shalt  }
0x5f: {  	_ =	shalt  }
0x60: {  	_ =	shalt  }
0x61: {  	_ =	shalt  }
0x62: {  	_ =	shalt  }
0x63: {  	_ =	shalt  }
0x64: {  	_ =	shalt  }
0x65: {  	_ =	shalt  }
0x66: {  	_ =	shalt  }
0x67: {  	_ =	shalt  }
0x68: {  	_ =	shalt  }
0x69: {  	_ =	shalt  }
0x6a: {  	_ =	shalt  }
0x6b: {  	_ =	shalt  }
0x6c: {  	_ =	shalt  }
0x6d: {  	_ =	shalt  }
0x6e: {  	_ =	shalt  }
0x6f: {  	_ =	shalt  }
0x70: {  	_ =	shalt  }
0x71: {  	_ =	shalt  }
0x72: {  	_ =	shalt  }
0x73: {  	_ =	shalt  }
0x74: {  	_ =	shalt  }
0x75: {  	_ =	shalt  }
0x76: {  	_ =	shalt  }
0x77: {  	_ =	shalt  }
0x78: {  	_ =	shalt  }
0x79: {  	_ =	shalt  }
0x7a: {  	_ =	shalt  }
0x7b: {  	_ =	shalt  }
0x7c: {  	_ =	shalt  }
0x7d: {  	_ =	shalt  }
0x7e: {  	_ =	shalt  }
0x7f: {  	_ =	shalt  }
0x80: {  	_ =	shalt  }
0x81: {  	_ =	shalt  }
0x82: {  	_ =	shalt  }
0x83: {  	_ =	shalt  }
0x84: {  	_ =	shalt  }
0x85: {  	_ =	shalt  }
0x86: {  	_ =	shalt  }
0x87: {  	_ =	shalt  }
.Lfunc_end0:
.L_simem_size_0:
called_computation_lowered:
.L_overlay_start_0:
0x88: {  	s2 =	sld [smem:$0x3FD9]  }
0x89: {  	s3 =	sld [smem:$0x3FFE];
	_ =	sdelay $0x1  }
0x8a: {  	s1 =	srdreg.scid  }
0x8b: {  	s0 =	sand.u32 $0x1, s1  }
0x8c: {  	s17 =	sshll.u32 s0, $0xA;
	s2 =	sadd.s32 s3, s2  }
0x8d: {  	s2 =	sadd.s32 s2, s17  }
0x8e: {  	[smem:$0x3FC4] =	sst s2  }
0x8f: {  	_ = 	snop  }
0x90: {  	s2 =	sld [smem:$0x3FD0];
	(tm) =	ssettm $0x1  }
0x91: {  	s18 =	sld [smem:$0x3FFB];
	_ =	sdelay $0x3  }
0x92: {  	_ =	strace s18  }
0x93: {  	s3 =	sld [smem:$0x3FFC];
	_ =	sdelay $0x3  }
0x94: {  	_ =	strace s3  }
0x95: {  	s3 =	sld [smem:$0x3FFD];
	_ =	sdelay $0x3  }
0x96: {  	_ =	strace s3  }
0x97: {  	_ =	strace $0x8FFFFFFF  }
0x98: {  	s19 =	sld [smem:$0x3FDB];
	_ =	sdelay $0x1  }
0x99: {  	s4 =	simm.s32 $_scs_section_size  }
0x9a: {  	s5 =	simm.s32 $_size__tile_overlayer_lowered;
	s6 =	simm.s32 $_tile_overlayer_lowered  }
0x9b: {  	s22 =	simm.s32 $0x1BFF;
	s21 =	sshll.u32 s6, $0x1;
	s3 =	sadd.s32 s4, s19  }
0x9c: {  	s7 =	simm.s32 $0x0;
	s20 =	sshll.u32 s5, $0x1;
	s5 =	sadd.s32 s21, s3  }
0x9d: {  	[timem:s7], [sflag:s22] =	dma.local [hbm:s5], s20  }
0x9e: {  	_ =	swait.ge [sflag:s22], s20  }
0x9f: {  	s4 =	ssub.s32 $0x0, s20;
	[sflag:s22] =	ssyncset.done $0x0  }
0xa0: {  	[sflag:s22] =	ssyncadd.s32 s4;
	_ =	sdelay $0x1  }
0xa1: {  	s23 =	simm.s32 $0x1B8B  }
0xa2: {  	_ =	swait.ge [sflag:s23], $0x1  }
0xa3: {  	[sflag:s23] =	ssyncset.done $0x0  }
0xa4: {  	s25 =	simm.s32 $0x1B8E;
	s24 =	sld [smem:$0x3FFE];
	[sflag:s23] =	ssyncadd.s32 $0xFFFFFFFF  }
0xa5: {  	s26 =	simm.s32 $execute0_lowered;
	[smem:$0x3FD2] =	sst s25  }
0xa6: {  	s5 =	sshll.u32 s26, $0x1;
	_ =	strace $0x80000046;
	[dreg:$0x1] =	wrdreg $0xFFFFFFFF  }
0xa7: {  	s28 =	simm.s32 $_size_execute0_lowered;
	s3 =	sadd.s32 s3, s5;
	[dreg:$0x0] =	wrdreg $0x0  }
0xa8: {  	s5 =	sshll.u32 s28, $0x1;
	[dreg:$0x2] =	wrdreg s3  }
0xa9: {  	[dreg:$0x3] =	wrdreg s5  }
0xaa: {  	[dreg:$0x4] =	wrdreg $0xC0  }
0xab: {  	_ =	task [dreg:s7], $0x5FFFF  }
0xac: {  	[dreg:$0x1] =	wrdreg $0xFFFFFFFF  }
0xad: {  	[dreg:$0x0] =	wrdreg $0x60  }
0xae: {  	[dreg:$0x2] =	wrdreg s24  }
0xaf: {  	[dreg:$0x3] =	wrdreg s2  }
0xb0: {  	[dreg:$0x4] =	wrdreg $0x9  }
0xb1: {  	_ =	task.clear_ibuf [dreg:s7], $0x5FFFF;
	_ =	strace $0x90000046  }
0xb2: {  	s29 =	simm.s32 $0x9;
	_ =	strace $0x80000048  }
0xb3: {  	_ =	swait.ge [sflag:s29], $0x1  }
0xb4: {  	[sflag:s29] =	ssyncadd.s32 $0xFFFFFFFF  }
0xb5: {  	_ =	strace $0x90000048  }
0xb6: {  	_ =	sfence  }
0xb7: {  	s30 =	sld [smem:$0x0];
	_ =	sdelay $0x2  }
0xb8: {  	s31 =	sshll.u32 s1, $0xD;
	s1 =	sshrl.u32 s1, $0x2  }
0xb9: {  	s3 =	sand.u32 $0x4000, s31;
	s1 =	sadd.s32 s1, s30  }
0xba: {  	s0 =	sor.u32 s3, s0;
	s1 =	sshll.u32 s1, $0x11  }
0xbb: {  	s0 =	sor.u32 s1, s0  }
0xbc: {  	s0 =	sadd.s32 $0x8F2B, s0  }
0xbd: {  	[sflag:s0] =	ssyncadd.remote.s32 $0x1  }
0xbe: {  	_ =	sfence.sel $0xFFFF  }
0xbf: {  	[dreg:$0x0] =	wrdreg $0xFFFFFFFF;
	(pc) =	sbr.abs _section_cstart, $3  }
0xc0: {  	[dreg:$0x1] =	wrdreg $0xFFFFFFFF  }
0xc1: {  	_ =	task.clear_ibuf [dreg:s7], $0x2FFFF;
	_ =	strace $0x9FFFFFFF  }
0xc2: {  	(tm) =	ssettm $0x7FFFFFFF  }
0xc3: {  	_ =	shalt  }
tec
execute0_lowered:
.L_overlay_start_1:
0x0: {  	(tag) =	ssettag $0x1  }
0x1: {  	s1 =	srdreg.scid  }
0x2: {  	s0 =	stileid.u32;
	s3 =	rddreg [dreg:$0x0]  }
0x3: {  	s5 =	rddreg [dreg:$0x1];
	s2 =	simm.s32 $0x0;
	s9 =	simm.s32 $0x10400  }
0x4: {  	s10 =	simm.s32 $0x14500;
	s11 =	simm.s32 $0x2;
	s12 =	simm.s32 $0x18600  }
0x5: {  	s13 =	simm.s32 $0x1;
	s4 =	sand.u32 $0x1, s1;
	s1 =	rddreg [dreg:$0x2]  }
0x6: {  	s14 =	simm.s32 $0x0;
	s31 =	sshll.u32 s0, $0x1;
	[smem:$0x7FF] =	sst s2  }
.Ltmp0:
0x7: {  	s6 =	sor.u32 s4, s31;
	s4 =	ssub.s32 $0x2, s4;
	(pc) =	sbr.rel .LBB2_1-.Ltmp0, $4  }
0x8: {  	s7 =	smul.u32 $0x2080, s6;
	s8 =	sshrl.u32 s4, $0x1;
	s6 =	sshll.u32 s6, $0x9  }
0x9: {  	_ =	strace $0x80000047;
	s8 =	ssub.s32 s4, s8;
	s5 =	sadd.s32 s5, s6  }
0xa: {  	s7 =	sadd.s32 s7, s3;
	s3 =	sadd.s32 $0x241400, s3;
	s6 =	smax.u32 s8, $0x1  }
0xb: {  	s8 =	simm.s32 $0x208;
	s4 =	sadd.s32 $0x200400, s7;
	s7 =	simm.s32 $0x3  }
.LBB2_10:
0xc: {  	s14 =	sadd.s32 $0x1, s14  }
0xd: {  	p0 =	sne.s32 s14, s6  }
.Ltmp1:
0xe: {  	_ = 	snop;
	(pc) =	sbr.rel @!p0 .LBB2_11-.Ltmp1, $4  }
0xf: {  	[hbm4b:s5+s2] =	stream.linear.scatter [tilespmem:s12], [sflag:$0x3], $0x1000, $0x38;
	[tilespmem:$0x19600] =	vst v63  }
0x10: {  	_ =	swait.ge [sflag:s7], $0x1000  }
0x11: {  	[sflag:s7] =	ssyncset.done $0x0  }
0x12: {  	[sflag:s7] =	ssyncadd.s32 $0xFFFFF000  }
.LBB2_1:
0x13: {  	[tilespmem:s2], [sflag:$0x3] =	stream.linear.gather [hbm4b:s4+s2], $0x10400, $0x38;
	[tilespmem:$0x19600] =	vst v63  }
0x14: {  	_ =	swait.ge [sflag:s7], $0x10400  }
.Ltmp2:
0x15: {  	[sflag:s7] =	ssyncset.done $0x0;
	(pc) =	sbr.rel .LBB2_2-.Ltmp2, $4  }
0x16: {  	[sflag:s7] =	ssyncadd.s32 $0xFFFEFC00  }
0x17: {  	[tilespmem:s9], [sflag:$0x1] =	stream.indirect.gather [hbm4b:s3+s8], $0x20, s2, s8, $0xb8;
	[tilespmem:$0x19600] =	vst v63  }
0x18: {  	s15 =	simm.s32 $0x0  }
0x19: {  	[tilespmem:s10], [sflag:$0x2] =	stream.indirect.gather [hbm4b:s3+s8], $0x20, s8, s8, $0xb8;
	[tilespmem:$0x19600] =	vst v63  }
.LBB2_5:
0x1a: {  	v6 =	vadd.f32 v6, v10  }
0x1b: {  	v8 =	vadd.f32 v8, v11  }
0x1c: {  	v2 =	vadd.f32 v2, v13;
	v4 =	vadd.f32 v4, v6  }
0x1d: {  	v3 =	vadd.f32 v3, v12;
	v61 =	vadd.f32 v7, v8  }
0x1e: {  	v0 =	vadd.f32 v0, v2;
	v62 =	vadd.f32 v5, v4  }
0x1f: {  	p0 =	sgt.u32 s15, $0x7D;
	v1 =	vadd.f32 v1, v3;
	v63 =	vadd.f32 v9, v61  }
0x20: {  	s16 =	sshll.u32 s15, $0x5;
	s17 =	smul.u32 @!p0 $0x820, s15;
	v0 =	vadd.f32 v62, v0  }
0x21: {  	s16 =	sand.u32 $0x3FFFFFE0, s16;
	v1 =	vadd.f32 v63, v1  }
0x22: {  	s17 =	sshra.s32 @!p0 s17, $0x2;
	[tilespmem:s16+$0x18600] =	vst v0  }
0x23: {  	s18 =	simm.s32 @!p0 $0x10400;
	[tilespmem:s16+$0x18610] =	vst v1;
	s16 =	sadd.s32 @!p0 $0x410, s17;
	s17 =	simm.s32 @!p0 $0x208  }
0x24: {  	[tilespmem:s18], [sflag:$0x1] =	stream.indirect.gather @!p0 [hbm4b:s3+s17], $0x20, s16, s17, $0xb8;
	[tilespmem:$0x19600] =	vst v63  }
.LBB2_9:
0x25: {  	s15 =	sadd.s32 $0x1, s15  }
0x26: {  	p0 =	sne.s32 s15, $0x80  }
.Ltmp3:
0x27: {  	_ = 	snop;
	(pc) =	sbr.rel @!p0 .LBB2_10-.Ltmp3, $1  }
0x28: {  	_ =	sdelay $0x3  }
.LBB2_2:
0x29: {  	s16 =	sand.u32 $0x1, s15  }
0x2a: {  	p0 =	seq.s32 s16, $0x1  }
.Ltmp4:
0x2b: {  	_ = 	snop;
	(pc) =	sbr.rel @!p0 .LBB2_3-.Ltmp4, $1  }
0x2c: {  	_ =	sdelay $0x3  }
0x2d: {  	_ =	swait.ge [sflag:s11], $0x4100  }
0x2e: {  	[sflag:s11] =	ssyncset.done $0x0  }
0x2f: {  	s17 =	simm.s32 $0x165F0;
	[sflag:s11] =	ssyncadd.s32 $0xFFFFBF00  }
0x30: {  	v0 =	vld [tilespmem:s17+$0xFFFFDF70]  }
0x31: {  	v1 =	vld [tilespmem:s17+$0xFFFFDF80]  }
0x32: {  	v2 =	vld [tilespmem:s17+$0xFFFFDF50]  }
0x33: {  	v3 =	vld [tilespmem:s17+$0xFFFFDF60]  }
0x34: {  	v9 =	vld [tilespmem:s17+$0xFFFFDF30]  }
0x35: {  	v12 =	vld [tilespmem:s17+$0xFFFFDF40]  }
0x36: {  	v5 =	vld [tilespmem:s17+$0xFFFFDF10]  }
0x37: {  	v7 =	vld [tilespmem:s17+$0xFFFFDF20]  }
0x38: {  	v10 =	vld [tilespmem:s17+$0xFFFFFF90]  }
0x39: {  	v11 =	vld [tilespmem:s17+$0xFFFFFFA0]  }
0x3a: {  	v6 =	vld [tilespmem:s17+$0xFFFFFFB0]  }
0x3b: {  	v8 =	vld [tilespmem:s17+$0xFFFFFFC0]  }
0x3c: {  	v13 =	vimm.f32 $0.0e+00;
	v4 =	vld [tilespmem:s17+$0xFFFFFFD0]  }
0x3d: {  	v14 =	vadd.f32 v5, v13;
	v15 =	vadd.f32 v7, v13;
	v7 =	vld [tilespmem:s17+$0xFFFFFFE0]  }
0x3e: {  	v10 =	vadd.f32 v10, v13;
	v11 =	vadd.f32 v11, v13;
	v5 =	vld [tilespmem:s17+$0xFFFFFFF0]  }
0x3f: {  	s16 =	simm.s32 $0x0;
	v13 =	vadd.f32 v9, v14;
	v12 =	vadd.f32 v12, v15;
	v9 =	vld [tilespmem:s17+$0x0];
	s17 =	simm.s32 $0x16670  }
.LBB2_7:
0x40: {  	v14 =	vld [tilespmem:s17+$0xFFFFDF70];
	v6 =	vadd.f32 v6, v10;
	v8 =	vadd.f32 v8, v11  }
0x41: {  	v10 =	vld [tilespmem:s17+$0xFFFFDF80];
	v11 =	vadd.f32 v2, v13;
	v12 =	vadd.f32 v3, v12  }
0x42: {  	v2 =	vld [tilespmem:s17+$0xFFFFDF50];
	v4 =	vadd.f32 v4, v6;
	v6 =	vadd.f32 v7, v8  }
0x43: {  	v3 =	vld [tilespmem:s17+$0xFFFFDF60];
	v7 =	vadd.f32 v0, v11;
	v11 =	vadd.f32 v1, v12  }
0x44: {  	v12 =	vld [tilespmem:s17+$0xFFFFDF30];
	v5 =	vadd.f32 v5, v4;
	v9 =	vadd.f32 v9, v6  }
0x45: {  	v15 =	vld [tilespmem:s17+$0xFFFFDF40];
	v0 =	vmov v14  }
0x46: {  	v13 =	vld [tilespmem:s17+$0xFFFFDF10];
	v1 =	vmov v10  }
0x47: {  	v10 =	vld [tilespmem:s17+$0xFFFFDF20]  }
0x48: {  	v14 =	vld [tilespmem:s17+$0xFFFFFF90]  }
0x49: {  	s16 =	sadd.s32 $0x4, s16;
	v16 =	vld [tilespmem:s17+$0xFFFFFFA0]  }
0x4a: {  	p0 =	slt.u32 s16, $0x100;
	v6 =	vld [tilespmem:s17+$0xFFFFFFB0]  }
.Ltmp5:
0x4b: {  	v8 =	vld [tilespmem:s17+$0xFFFFFFC0];
	(pc) =	sbr.rel @p0 .LBB2_7-.Ltmp5, $4  }
0x4c: {  	v4 =	vld [tilespmem:s17+$0xFFFFFFD0]  }
0x4d: {  	v13 =	vadd.f32 v13, v7;
	v17 =	vadd.f32 v10, v11;
	v7 =	vld [tilespmem:s17+$0xFFFFFFE0]  }
0x4e: {  	v10 =	vadd.f32 v14, v5;
	v11 =	vadd.f32 v16, v9;
	v5 =	vld [tilespmem:s17+$0xFFFFFFF0]  }
0x4f: {  	v13 =	vadd.f32 v12, v13;
	v12 =	vadd.f32 v15, v17;
	v9 =	vld [tilespmem:s17+$0x0];
	s17 =	sadd.s32 $0x80, s17  }
0x50: {  	v6 =	vadd.f32 v6, v10  }
0x51: {  	v8 =	vadd.f32 v8, v11  }
0x52: {  	v2 =	vadd.f32 v2, v13;
	v4 =	vadd.f32 v4, v6  }
0x53: {  	v3 =	vadd.f32 v3, v12;
	v61 =	vadd.f32 v7, v8  }
0x54: {  	p0 =	sgt.u32 s15, $0x7D;
	v0 =	vadd.f32 v0, v2;
	v62 =	vadd.f32 v5, v4  }
0x55: {  	s17 =	smul.u32 @!p0 $0x820, s15;
	v1 =	vadd.f32 v1, v3;
	v63 =	vadd.f32 v9, v61  }
.Ltmp6:
0x56: {  	s16 =	sshll.u32 s15, $0x5;
	v0 =	vadd.f32 v62, v0;
	(pc) =	sbr.rel .LBB2_9-.Ltmp6, $4  }
0x57: {  	s16 =	sand.u32 $0x3FFFFFE0, s16;
	v1 =	vadd.f32 v63, v1  }
0x58: {  	s17 =	sshra.s32 @!p0 s17, $0x2;
	[tilespmem:s16+$0x18600] =	vst v0  }
0x59: {  	s18 =	simm.s32 @!p0 $0x14500;
	[tilespmem:s16+$0x18610] =	vst v1;
	s16 =	sadd.s32 @!p0 $0x410, s17;
	s17 =	simm.s32 @!p0 $0x208  }
0x5a: {  	[tilespmem:s18], [sflag:$0x2] =	stream.indirect.gather @!p0 [hbm4b:s3+s17], $0x20, s16, s17, $0xb8;
	[tilespmem:$0x19600] =	vst v63  }
.LBB2_3:
0x5b: {  	_ =	swait.ge [sflag:s13], $0x4100  }
0x5c: {  	[sflag:s13] =	ssyncset.done $0x0  }
0x5d: {  	s17 =	simm.s32 $0x124F0;
	[sflag:s13] =	ssyncadd.s32 $0xFFFFBF00  }
0x5e: {  	v0 =	vld [tilespmem:s17+$0xFFFFDF70]  }
0x5f: {  	v1 =	vld [tilespmem:s17+$0xFFFFDF80]  }
0x60: {  	v2 =	vld [tilespmem:s17+$0xFFFFDF50]  }
0x61: {  	v3 =	vld [tilespmem:s17+$0xFFFFDF60]  }
0x62: {  	v9 =	vld [tilespmem:s17+$0xFFFFDF30]  }
0x63: {  	v12 =	vld [tilespmem:s17+$0xFFFFDF40]  }
0x64: {  	v5 =	vld [tilespmem:s17+$0xFFFFDF10]  }
0x65: {  	v7 =	vld [tilespmem:s17+$0xFFFFDF20]  }
0x66: {  	v10 =	vld [tilespmem:s17+$0xFFFFFF90]  }
0x67: {  	v11 =	vld [tilespmem:s17+$0xFFFFFFA0]  }
0x68: {  	v6 =	vld [tilespmem:s17+$0xFFFFFFB0]  }
0x69: {  	v8 =	vld [tilespmem:s17+$0xFFFFFFC0]  }
0x6a: {  	v13 =	vimm.f32 $0.0e+00;
	v4 =	vld [tilespmem:s17+$0xFFFFFFD0]  }
0x6b: {  	v14 =	vadd.f32 v5, v13;
	v15 =	vadd.f32 v7, v13;
	v7 =	vld [tilespmem:s17+$0xFFFFFFE0]  }
0x6c: {  	v10 =	vadd.f32 v10, v13;
	v11 =	vadd.f32 v11, v13;
	v5 =	vld [tilespmem:s17+$0xFFFFFFF0]  }
0x6d: {  	s16 =	simm.s32 $0x0;
	v13 =	vadd.f32 v9, v14;
	v12 =	vadd.f32 v12, v15;
	v9 =	vld [tilespmem:s17+$0x0];
	s17 =	simm.s32 $0x12570  }
.LBB2_4:
0x6e: {  	v14 =	vld [tilespmem:s17+$0xFFFFDF70];
	v6 =	vadd.f32 v6, v10;
	v8 =	vadd.f32 v8, v11  }
0x6f: {  	v11 =	vadd.f32 v2, v13;
	v12 =	vadd.f32 v3, v12;
	v10 =	vld [tilespmem:s17+$0xFFFFDF80]  }
0x70: {  	v2 =	vld [tilespmem:s17+$0xFFFFDF50];
	v4 =	vadd.f32 v4, v6;
	v6 =	vadd.f32 v7, v8  }
0x71: {  	v7 =	vadd.f32 v0, v11;
	v11 =	vadd.f32 v1, v12;
	v3 =	vld [tilespmem:s17+$0xFFFFDF60]  }
0x72: {  	v12 =	vld [tilespmem:s17+$0xFFFFDF30];
	v5 =	vadd.f32 v5, v4;
	v9 =	vadd.f32 v9, v6  }
0x73: {  	v15 =	vld [tilespmem:s17+$0xFFFFDF40];
	v0 =	vmov v14  }
0x74: {  	v13 =	vld [tilespmem:s17+$0xFFFFDF10];
	v1 =	vmov v10  }
0x75: {  	v10 =	vld [tilespmem:s17+$0xFFFFDF20]  }
0x76: {  	v14 =	vld [tilespmem:s17+$0xFFFFFF90]  }
0x77: {  	s16 =	sadd.s32 $0x4, s16;
	v16 =	vld [tilespmem:s17+$0xFFFFFFA0]  }
0x78: {  	p0 =	slt.u32 s16, $0x100;
	v6 =	vld [tilespmem:s17+$0xFFFFFFB0]  }
.Ltmp7:
0x79: {  	v8 =	vld [tilespmem:s17+$0xFFFFFFC0];
	(pc) =	sbr.rel @p0 .LBB2_4-.Ltmp7, $4  }
0x7a: {  	v4 =	vld [tilespmem:s17+$0xFFFFFFD0]  }
0x7b: {  	v13 =	vadd.f32 v13, v7;
	v17 =	vadd.f32 v10, v11;
	v7 =	vld [tilespmem:s17+$0xFFFFFFE0]  }
0x7c: {  	v10 =	vadd.f32 v14, v5;
	v11 =	vadd.f32 v16, v9;
	v5 =	vld [tilespmem:s17+$0xFFFFFFF0]  }
0x7d: {  	v13 =	vadd.f32 v12, v13;
	v12 =	vadd.f32 v15, v17;
	v9 =	vld [tilespmem:s17+$0x0];
	s17 =	sadd.s32 $0x80, s17  }
.Ltmp8:
0x7e: {  	_ = 	snop;
	(pc) =	sbr.rel .LBB2_5-.Ltmp8, $1  }
0x7f: {  	_ =	sdelay $0x3  }
.LBB2_11:
0x80: {  	_ =	sfence.sel $0x180000  }
0x81: {  	[bflag:$0x0] =	sbarrier.arrive $0xFFFF  }
0x82: {  	p0 =	sne.s32 s0, $0x0;
	_ =	strace $0x90000047  }
0x83: {  	s0 =	sadd.s32 @!p0 $0x100000, s1;
	[bflag:$0x2] =	sbarrier.arrive $0xFFFF  }
0x84: {  	[sflag:s0] =	ssyncadd.tile.s32 @!p0 $0x1;
	_ =	shalt  }
.Lfunc_end2:
_tile_overlayer_lowered:
.L_overlay_start_2:
0x85: {  	(tag) =	ssettag $0x2  }
0x86: {  	s0 =	rddreg [dreg:$0x0];
	s2 =	stileid.u32  }
0x87: {  	s1 =	rddreg [dreg:$0x1];
	p0 =	sne.s32 s2, $0x0  }
0x88: {  	s3 =	rddreg [dreg:$0x2];
	[bflag:$0x3] =	sbarrier.arrive $0xFFFF;
	s2 =	simm.s32 @!p0 $0x1C03  }
0x89: {  	[timem:s3], [sflag:s2] =	dma.local @!p0 [hbm:s0], s1  }
0x8a: {  	s0 =	simm.s32 @!p0 $0x3  }
0x8b: {  	_ =	swait.ge @!p0 [sflag:s0], s1  }
0x8c: {  	s1 =	ssub.s32 @!p0 $0x0, s1;
	[sflag:s0] =	ssyncset.done @!p0 $0x0  }
0x8d: {  	[sflag:s0] =	ssyncadd.s32 @!p0 s1  }
0x8e: {  	[bflag:$0x3] =	sbarrier.arrive $0xFFFF  }
0x8f: {  	_ =	shalt  }

</sc_bundles>
